<compile_context>
chip_gen: v7x
topology: tpu7x:2x2x1
jax: 0.10.2.dev20260603
libtpu: 0.0.44.dev20260713+nightly
codegen_flags: <defaults>
</compile_context>

<pallas_src>
import jax
import jax.numpy as jnp
from jax import lax
from jax.experimental import pallas as pl
from jax.experimental.pallas import tpu as pltpu
from jax.experimental.pallas import tpu_sc as plsc

N_CONT = 13
N_CAT = 26
VOCAB = 100000
EDIM = 16
BATCH = 16384
EMB_W = N_CAT * EDIM
OUT_W = EMB_W + N_CONT

NC, NS, L = 2, 16, 16
NW = NC * NS
ROWS_PER_W = BATCH // NW
CHUNK = 128
N_CHUNKS = ROWS_PER_W // CHUNK
TOTAL_CHUNKS = BATCH // CHUNK
CONT_VECS = CHUNK * N_CONT // L
NQ = 4
QW = EMB_W // NQ


def _body(t_hbm, idx_hbm, x_hbm, out_hbm, idx_v, dest_v, slab_v, xin_v, cont_v, sem):
    wid = lax.axis_index("s") * NC + lax.axis_index("c")
    lanes = lax.iota(jnp.int32, 16)

    def chunk_body(ci, carry):
        cid = wid * N_CHUNKS + ci
        base = cid * CHUNK
        pltpu.sync_copy(idx_hbm.at[cid], idx_v)
        pltpu.sync_copy(x_hbm.at[pl.ds(base, CHUNK)], xin_v)

        def fire_body(ce, carry2):
            pltpu.async_copy(
                t_hbm.at[idx_v.at[ce]], dest_v.at[ce], sem.at[ce // QW]
            )
            return carry2

        lax.fori_loop(0, EMB_W, fire_body, 0)

        def cont_body(v, carry2):
            q = v * L + lanes
            r = q // N_CONT
            col = q - r * N_CONT
            val = plsc.load_gather(xin_v, [r, col])
            plsc.store_scatter(cont_v, [r, col], val)
            return carry2

        lax.fori_loop(0, CONT_VECS, cont_body, 0)
        pltpu.sync_copy(cont_v, out_hbm.at[pl.ds(base, CHUNK), pl.ds(EMB_W, L)])

        def quarter_body(h, carry2):
            ce0 = h * QW

            def drain_body(i, carry3):
                ce = ce0 + i
                pltpu.make_async_copy(
                    t_hbm.at[idx_v.at[ce]], dest_v.at[ce], sem.at[h]
                ).wait()
                return carry3

            lax.fori_loop(0, QW, drain_body, 0)

            def slab_body(k, carry3):
                def tr_body(i, carry4):
                    ce = ce0 + i
                    val = dest_v[ce, pl.ds(k * L, L)]
                    cevec = lanes * 0 + i
                    plsc.store_scatter(slab_v, [lanes, cevec], val)
                    return carry4

                lax.fori_loop(0, QW, tr_body, 0)
                pltpu.sync_copy(
                    slab_v,
                    out_hbm.at[pl.ds(base + k * L, L), pl.ds(ce0, QW)],
                )
                return carry3

            lax.fori_loop(0, CHUNK // L, slab_body, 0)
            return carry2

        lax.fori_loop(0, NQ, quarter_body, 0)
        return carry

    lax.fori_loop(0, N_CHUNKS, chunk_body, 0)


@jax.jit
def _cat_emb_head(x_in, tables):
    tswap = jnp.swapaxes(tables, 1, 2).reshape(EMB_W, VOCAB).reshape(-1)
    x_cat = x_in[:, N_CONT:].astype(jnp.int32)
    ce = jnp.arange(EMB_W, dtype=jnp.int32)
    v = x_cat[:, ce // EDIM]
    idx = ce[None, :] * VOCAB + v
    idx3 = idx.reshape(TOTAL_CHUNKS, CHUNK, EMB_W).transpose(0, 2, 1)

    mesh = plsc.VectorSubcoreMesh(core_axis_name="c", subcore_axis_name="s")
    f = pl.kernel(
        _body,
        out_type=jax.ShapeDtypeStruct((BATCH, EMB_W + L), jnp.float32),
        mesh=mesh,
        scratch_types=[
            pltpu.VMEM((EMB_W, CHUNK), jnp.int32),
            pltpu.VMEM((EMB_W, CHUNK), jnp.float32),
            pltpu.VMEM((L, QW), jnp.float32),
            pltpu.VMEM((CHUNK, N_CONT + N_CAT), jnp.float32),
            pltpu.VMEM((CHUNK, L), jnp.float32),
            pltpu.SemaphoreType.DMA((NQ,)),
        ],
        compiler_params=pltpu.CompilerParams(
            use_tc_tiling_on_sc=False, needs_layout_passes=False
        ),
    )
    out432 = f(tswap, idx3, x_in)
    return out432[:, :OUT_W]


def kernel(x_in, tables):
    return _cat_emb_head(x_in, tables)

# --- scband reference (transcript-rebuilt; emitter-appended) ---
"""Pipeline reference for scband-cat-emb-head-3126736192036 (READ-ONLY COPY).

The authoritative reference and input builder live on the scoring server;
editing this copy changes nothing except your own understanding.
"""

import jax, jax.numpy as jnp
import numpy as np

N_CONT = 13
N_CAT = 26
VOCAB = 100000
EDIM = 16
BATCH = 16384


def setup_inputs(seed: int = 0) -> dict:
    key = jax.random.key(seed)
    k1, k2 = jax.random.split(key)
    # x_in: first N_CONT columns are continuous features, remaining N_CAT columns are
    # categorical indices stored as floats (as in the torch module, cast to long in forward).
    x_in = jax.random.randint(k1, (BATCH, N_CONT + N_CAT), 0, VOCAB).astype(jnp.float32)
    # 26 embedding tables, each [VOCAB, EDIM] (nn.Embedding weights), stacked.
    tables = jax.random.normal(k2, (N_CAT, VOCAB, EDIM), dtype=jnp.float32) * 0.01
    return {"x_in": x_in, "tables": tables}


def reference(x_in, tables):
    # x_cat = x_in[:, n_cont_in:].long()
    x_cat = x_in[:, N_CONT:].astype(jnp.int32)
    # x = torch.cat([emb(x_cat[:, i]) for i, emb in enumerate(self.embeds)], dim=1)
    embs = [jnp.take(tables[i], x_cat[:, i], axis=0) for i in range(N_CAT)]
    x = jnp.concatenate(embs, axis=1)
    # x_cont = x_in[:, :n_cont_in]; x = cat((x, x_cont), dim=1)
    x_cont = x_in[:, :N_CONT]
    x = jnp.concatenate([x, x_cont], axis=1)
    return x

if __name__ == "__main__":
    import jax
    _d = setup_inputs()
    print(jax.jit(kernel)(*tuple(_d.values())))

</pallas_src>

<mosaic_0001>
#map = affine_map<(d0, d1) -> (0)>
#map1 = affine_map<(d0, d1) -> (0, 0, 0)>
#map2 = affine_map<(d0, d1) -> (0, 0)>
module attributes {stable_mosaic.version = 14 : i64} {
  func.func @_body(%arg0: i32, %arg1: i32, %arg2: memref<41600000xf32, #tpu.memory_space<hbm>>, %arg3: memref<128x416x128xi32, #tpu.memory_space<hbm>>, %arg4: memref<16384x39xf32, #tpu.memory_space<hbm>>, %arg5: memref<16384x432xf32, #tpu.memory_space<hbm>>, %arg6: memref<416x128xi32, #tpu.memory_space<vmem>>, %arg7: memref<416x128xf32, #tpu.memory_space<vmem>>, %arg8: memref<16x104xf32, #tpu.memory_space<vmem>>, %arg9: memref<128x39xf32, #tpu.memory_space<vmem>>, %arg10: memref<128x16xf32, #tpu.memory_space<vmem>>, %arg11: memref<4x!tpu.dma_semaphore, #tpu.memory_space<semaphore_mem>>) attributes {dimension_semantics = [#tpu.dimension_semantics<core_parallel>, #tpu.dimension_semantics<subcore_parallel>], iteration_bounds = array<i64: 2, 16>, scalar_prefetch = 0 : i64, scratch_operands = 6 : i64, tpu.core_type = #tpu.core_type<sc_vector_subcore>, window_params = [{transform_indices = #map}, {transform_indices = #map1}, {transform_indices = #map2}, {transform_indices = #map2}]} {
    %mul3A = arith.constant 2 : i32
    %mul3A_0 = arith.muli %arg1, %mul3A : i32
    %add3A = arith.addi %mul3A_0, %arg0 : i32
    %iota3A = tpu.iota {dimensions = array<i32: 0>} : vector<16xi32>
    %scan3A = arith.constant 0 : i32
    %scan3A_1 = arith.constant 0 : i32
    %scan3A_2 = arith.constant 4 : i32
    %scan3A_3 = arith.addi %scan3A_1, %scan3A_2 : i32
    %scan3A_4 = arith.constant 1 : i32
    scf.for %scan3A_6 = %scan3A_1 to %scan3A_3 step %scan3A_4  : i32 {
      %mul3A_7 = arith.constant 4 : i32
      %mul3A_8 = arith.muli %add3A, %mul3A_7 : i32
      %add3A_9 = arith.addi %mul3A_8, %scan3A_6 : i32
      %mul3A_10 = arith.constant 128 : i32
      %mul3A_11 = arith.muli %add3A_9, %mul3A_10 : i32
      "tpu.region"() ({
        %run_scoped3A = tpu.sem_alloc : memref<!tpu.dma_semaphore, #tpu.memory_space<semaphore_mem>>
        %dma_start3A = arith.constant 0 : i32
        %dma_start3A_30 = arith.constant 0 : i32
        %dma_start3A_31 = tpu.memref_slice %arg3[%add3A_9, %dma_start3A, %dma_start3A_30] : memref<128x416x128xi32, #tpu.memory_space<hbm>> -> memref<1x416x128xi32, #tpu.memory_space<hbm>>
        %dma_start3A_32 = tpu.memref_squeeze %dma_start3A_31 : memref<1x416x128xi32, #tpu.memory_space<hbm>> -> memref<416x128xi32, #tpu.memory_space<hbm>>
        %dma_start3A_33 = arith.constant 0 : i32
        %dma_start3A_34 = arith.constant 0 : i32
        %dma_start3A_35 = tpu.memref_slice %arg3[%add3A_9, %dma_start3A_33, %dma_start3A_34] : memref<128x416x128xi32, #tpu.memory_space<hbm>> -> memref<1x416x128xi32, #tpu.memory_space<hbm>>
        %dma_start3A_36 = tpu.memref_squeeze %dma_start3A_35 : memref<1x416x128xi32, #tpu.memory_space<hbm>> -> memref<416x128xi32, #tpu.memory_space<hbm>>
        tpu.enqueue_dma source(%dma_start3A_36 : memref<416x128xi32, #tpu.memory_space<hbm>>) target(%arg6 : memref<416x128xi32, #tpu.memory_space<vmem>>) target_semaphore(%run_scoped3A : memref<!tpu.dma_semaphore, #tpu.memory_space<semaphore_mem>>)
        %dma_wait3A = arith.constant 0 : i32
        %dma_wait3A_37 = arith.constant 0 : i32
        %dma_wait3A_38 = tpu.memref_slice %arg3[%add3A_9, %dma_wait3A, %dma_wait3A_37] : memref<128x416x128xi32, #tpu.memory_space<hbm>> -> memref<1x416x128xi32, #tpu.memory_space<hbm>>
        %dma_wait3A_39 = tpu.memref_squeeze %dma_wait3A_38 : memref<1x416x128xi32, #tpu.memory_space<hbm>> -> memref<416x128xi32, #tpu.memory_space<hbm>>
        %dma_wait3A_40 = arith.constant 0 : i32
        %dma_wait3A_41 = arith.constant 0 : i32
        %dma_wait3A_42 = tpu.memref_slice %arg3[%add3A_9, %dma_wait3A_40, %dma_wait3A_41] : memref<128x416x128xi32, #tpu.memory_space<hbm>> -> memref<1x416x128xi32, #tpu.memory_space<hbm>>
        %dma_wait3A_43 = tpu.memref_squeeze %dma_wait3A_42 : memref<1x416x128xi32, #tpu.memory_space<hbm>> -> memref<416x128xi32, #tpu.memory_space<hbm>>
        tpu.wait_dma2 semaphore(%run_scoped3A : memref<!tpu.dma_semaphore, #tpu.memory_space<semaphore_mem>>) src(%dma_wait3A_43 : memref<416x128xi32, #tpu.memory_space<hbm>>) dst(%arg6 : memref<416x128xi32, #tpu.memory_space<vmem>>)
        tpu.yield
      }) : () -> ()
      "tpu.region"() ({
        %run_scoped3A = tpu.sem_alloc : memref<!tpu.dma_semaphore, #tpu.memory_space<semaphore_mem>>
        %dma_start3A = arith.constant 0 : i32
        %dma_start3A_30 = tpu.memref_slice %arg4[%mul3A_11, %dma_start3A] : memref<16384x39xf32, #tpu.memory_space<hbm>> -> memref<128x39xf32, #tpu.memory_space<hbm>>
        %dma_start3A_31 = arith.constant 0 : i32
        %dma_start3A_32 = tpu.memref_slice %arg4[%mul3A_11, %dma_start3A_31] : memref<16384x39xf32, #tpu.memory_space<hbm>> -> memref<128x39xf32, #tpu.memory_space<hbm>>
        tpu.enqueue_dma source(%dma_start3A_32 : memref<128x39xf32, #tpu.memory_space<hbm>>) target(%arg9 : memref<128x39xf32, #tpu.memory_space<vmem>>) target_semaphore(%run_scoped3A : memref<!tpu.dma_semaphore, #tpu.memory_space<semaphore_mem>>)
        %dma_wait3A = arith.constant 0 : i32
        %dma_wait3A_33 = tpu.memref_slice %arg4[%mul3A_11, %dma_wait3A] : memref<16384x39xf32, #tpu.memory_space<hbm>> -> memref<128x39xf32, #tpu.memory_space<hbm>>
        %dma_wait3A_34 = arith.constant 0 : i32
        %dma_wait3A_35 = tpu.memref_slice %arg4[%mul3A_11, %dma_wait3A_34] : memref<16384x39xf32, #tpu.memory_space<hbm>> -> memref<128x39xf32, #tpu.memory_space<hbm>>
        tpu.wait_dma2 semaphore(%run_scoped3A : memref<!tpu.dma_semaphore, #tpu.memory_space<semaphore_mem>>) src(%dma_wait3A_35 : memref<128x39xf32, #tpu.memory_space<hbm>>) dst(%arg9 : memref<128x39xf32, #tpu.memory_space<vmem>>)
        tpu.yield
      }) : () -> ()
      %scan3A_12 = arith.constant 0 : i32
      %scan3A_13 = arith.constant 0 : i32
      %scan3A_14 = arith.constant 416 : i32
      %scan3A_15 = arith.addi %scan3A_13, %scan3A_14 : i32
      %scan3A_16 = arith.constant 1 : i32
      scf.for %scan3A_30 = %scan3A_13 to %scan3A_15 step %scan3A_16  : i32 {
        %jit3A = arith.constant 104 : i32
        %div3A = arith.divsi %scan3A_30, %jit3A : i32
        %sign3A = arith.constant 0 : i32
        %sign3A_31 = arith.cmpi sgt, %scan3A_30, %sign3A : i32
        %sign3A_32 = arith.extui %sign3A_31 : i1 to i32
        %sign3A_33 = arith.constant 0 : i32
        %sign3A_34 = arith.cmpi slt, %scan3A_30, %sign3A_33 : i32
        %sign3A_35 = arith.extui %sign3A_34 : i1 to i32
        %sign3A_36 = arith.subi %sign3A_32, %sign3A_35 : i32
        %sign3A_37 = arith.constant 0 : i32
        %sign3A_38 = arith.cmpi sgt, %jit3A, %sign3A_37 : i32
        %sign3A_39 = arith.extui %sign3A_38 : i1 to i32
        %sign3A_40 = arith.constant 0 : i32
        %sign3A_41 = arith.cmpi slt, %jit3A, %sign3A_40 : i32
        %sign3A_42 = arith.extui %sign3A_41 : i1 to i32
        %sign3A_43 = arith.subi %sign3A_39, %sign3A_42 : i32
        %ne3A = arith.cmpi ne, %sign3A_36, %sign3A_43 : i32
        %rem3A = arith.remsi %scan3A_30, %jit3A : i32
        %ne3A_44 = arith.constant 0 : i32
        %ne3A_45 = arith.cmpi ne, %rem3A, %ne3A_44 : i32
        %and3A = arith.andi %ne3A, %ne3A_45 : i1
        %sub3A = arith.constant 1 : i32
        %sub3A_46 = arith.subi %div3A, %sub3A : i32
        %select_n3A = arith.select %and3A, %sub3A_46, %div3A : i32
        %dma_start3A = arith.constant 0 : i32
        %dma_start3A_47 = tpu.memref_slice %arg7[%scan3A_30, %dma_start3A] : memref<416x128xf32, #tpu.memory_space<vmem>> -> memref<1x128xf32, #tpu.memory_space<vmem>>
        %dma_start3A_48 = tpu.memref_squeeze %dma_start3A_47 : memref<1x128xf32, #tpu.memory_space<vmem>> -> memref<128xf32, #tpu.memory_space<vmem>>
        %dma_start3A_49 = arith.constant 0 : i32
        %dma_start3A_50 = tpu.memref_slice %arg6[%scan3A_30, %dma_start3A_49] : memref<416x128xi32, #tpu.memory_space<vmem>> -> memref<1x128xi32, #tpu.memory_space<vmem>>
        %dma_start3A_51 = tpu.memref_squeeze %dma_start3A_50 : memref<1x128xi32, #tpu.memory_space<vmem>> -> memref<128xi32, #tpu.memory_space<vmem>>
        %dma_start3A_52 = arith.constant 0 : i32
        %dma_start3A_53 = tpu.memref_slice %arg2[%dma_start3A_52] : memref<41600000xf32, #tpu.memory_space<hbm>> -> memref<41600000xf32, #tpu.memory_space<hbm>>
        %dma_start3A_54 = tpu.memref_slice %arg11[%select_n3A] : memref<4x!tpu.dma_semaphore, #tpu.memory_space<semaphore_mem>> -> memref<1x!tpu.dma_semaphore, #tpu.memory_space<semaphore_mem>>
        %dma_start3A_55 = tpu.memref_squeeze %dma_start3A_54 : memref<1x!tpu.dma_semaphore, #tpu.memory_space<semaphore_mem>> -> memref<!tpu.dma_semaphore, #tpu.memory_space<semaphore_mem>>
        tpu.enqueue_indirect_dma source(%dma_start3A_53 : memref<41600000xf32, #tpu.memory_space<hbm>>) target(%dma_start3A_48 : memref<128xf32, #tpu.memory_space<vmem>>) offsets(%dma_start3A_51 : memref<128xi32, #tpu.memory_space<vmem>>) semaphore(%dma_start3A_55 : memref<!tpu.dma_semaphore, #tpu.memory_space<semaphore_mem>>)
      }
      %scan3A_17 = arith.constant 416 : i32
      %scan3A_18 = arith.constant 0 : i32
      %scan3A_19 = arith.constant 0 : i32
      %scan3A_20 = arith.constant 104 : i32
      %scan3A_21 = arith.addi %scan3A_19, %scan3A_20 : i32
      %scan3A_22 = arith.constant 1 : i32
      scf.for %scan3A_30 = %scan3A_19 to %scan3A_21 step %scan3A_22  : i32 {
        %mul3A_31 = arith.constant 16 : i32
        %mul3A_32 = arith.muli %scan3A_30, %mul3A_31 : i32
        %add3A_33 = vector.broadcast %mul3A_32 : i32 to vector<16xi32>
        %add3A_34 = arith.addi %add3A_33, %iota3A : vector<16xi32>
        %jit3A = arith.constant 13 : i32
        %div3A = vector.broadcast %jit3A : i32 to vector<16xi32>
        %div3A_35 = arith.divsi %add3A_34, %div3A : vector<16xi32>
        %sign3A = arith.constant 0 : i32
        %sign3A_36 = vector.broadcast %sign3A : i32 to vector<16xi32>
        %sign3A_37 = arith.cmpi sgt, %add3A_34, %sign3A_36 : vector<16xi32>
        %sign3A_38 = arith.extui %sign3A_37 : vector<16xi1> to vector<16xi32>
        %sign3A_39 = arith.constant 0 : i32
        %sign3A_40 = vector.broadcast %sign3A_39 : i32 to vector<16xi32>
        %sign3A_41 = arith.cmpi slt, %add3A_34, %sign3A_40 : vector<16xi32>
        %sign3A_42 = arith.extui %sign3A_41 : vector<16xi1> to vector<16xi32>
        %sign3A_43 = arith.subi %sign3A_38, %sign3A_42 : vector<16xi32>
        %sign3A_44 = arith.constant 0 : i32
        %sign3A_45 = arith.cmpi sgt, %jit3A, %sign3A_44 : i32
        %sign3A_46 = arith.extui %sign3A_45 : i1 to i32
        %sign3A_47 = arith.constant 0 : i32
        %sign3A_48 = arith.cmpi slt, %jit3A, %sign3A_47 : i32
        %sign3A_49 = arith.extui %sign3A_48 : i1 to i32
        %sign3A_50 = arith.subi %sign3A_46, %sign3A_49 : i32
        %ne3A = vector.broadcast %sign3A_50 : i32 to vector<16xi32>
        %ne3A_51 = arith.cmpi ne, %sign3A_43, %ne3A : vector<16xi32>
        %rem3A = vector.broadcast %jit3A : i32 to vector<16xi32>
        %rem3A_52 = arith.remsi %add3A_34, %rem3A : vector<16xi32>
        %ne3A_53 = arith.constant 0 : i32
        %ne3A_54 = vector.broadcast %ne3A_53 : i32 to vector<16xi32>
        %ne3A_55 = arith.cmpi ne, %rem3A_52, %ne3A_54 : vector<16xi32>
        %and3A = arith.andi %ne3A_51, %ne3A_55 : vector<16xi1>
        %sub3A = arith.constant 1 : i32
        %sub3A_56 = vector.broadcast %sub3A : i32 to vector<16xi32>
        %sub3A_57 = arith.subi %div3A_35, %sub3A_56 : vector<16xi32>
        %select_n3A = arith.select %and3A, %sub3A_57, %div3A_35 : vector<16xi1>, vector<16xi32>
        %mul3A_58 = arith.constant 13 : i32
        %mul3A_59 = vector.broadcast %mul3A_58 : i32 to vector<16xi32>
        %mul3A_60 = arith.muli %select_n3A, %mul3A_59 : vector<16xi32>
        %sub3A_61 = arith.subi %add3A_34, %mul3A_60 : vector<16xi32>
        %gather3A = tpu.vector_load_idx %arg9[%select_n3A, %sub3A_61] : memref<128x39xf32, #tpu.memory_space<vmem>>[vector<16xi32>, vector<16xi32>], vector<16xf32>,
        tpu.vector_store_idx %arg10[%select_n3A, %sub3A_61], %gather3A : memref<128x16xf32, #tpu.memory_space<vmem>>[vector<16xi32>, vector<16xi32>], vector<16xf32>,
      }
      %scan3A_23 = arith.constant 104 : i32
      "tpu.region"() ({
        %run_scoped3A = tpu.sem_alloc : memref<!tpu.dma_semaphore, #tpu.memory_space<semaphore_mem>>
        %dma_start3A = arith.constant 416 : i32
        %dma_start3A_30 = tpu.memref_slice %arg5[%mul3A_11, %dma_start3A] : memref<16384x432xf32, #tpu.memory_space<hbm>> -> memref<128x16xf32, #tpu.memory_space<hbm>>
        %dma_start3A_31 = arith.constant 416 : i32
        %dma_start3A_32 = tpu.memref_slice %arg5[%mul3A_11, %dma_start3A_31] : memref<16384x432xf32, #tpu.memory_space<hbm>> -> memref<128x16xf32, #tpu.memory_space<hbm>>
        tpu.enqueue_dma source(%arg10 : memref<128x16xf32, #tpu.memory_space<vmem>>) target(%dma_start3A_32 : memref<128x16xf32, #tpu.memory_space<hbm>>) target_semaphore(%run_scoped3A : memref<!tpu.dma_semaphore, #tpu.memory_space<semaphore_mem>>)
        %dma_wait3A = arith.constant 416 : i32
        %dma_wait3A_33 = tpu.memref_slice %arg5[%mul3A_11, %dma_wait3A] : memref<16384x432xf32, #tpu.memory_space<hbm>> -> memref<128x16xf32, #tpu.memory_space<hbm>>
        %dma_wait3A_34 = arith.constant 416 : i32
        %dma_wait3A_35 = tpu.memref_slice %arg5[%mul3A_11, %dma_wait3A_34] : memref<16384x432xf32, #tpu.memory_space<hbm>> -> memref<128x16xf32, #tpu.memory_space<hbm>>
        tpu.wait_dma2 semaphore(%run_scoped3A : memref<!tpu.dma_semaphore, #tpu.memory_space<semaphore_mem>>) src(%arg10 : memref<128x16xf32, #tpu.memory_space<vmem>>) dst(%dma_wait3A_35 : memref<128x16xf32, #tpu.memory_space<hbm>>)
        tpu.yield
      }) : () -> ()
      %scan3A_24 = arith.constant 0 : i32
      %scan3A_25 = arith.constant 0 : i32
      %scan3A_26 = arith.constant 4 : i32
      %scan3A_27 = arith.addi %scan3A_25, %scan3A_26 : i32
      %scan3A_28 = arith.constant 1 : i32
      scf.for %scan3A_30 = %scan3A_25 to %scan3A_27 step %scan3A_28  : i32 {
        %mul3A_31 = arith.constant 104 : i32
        %mul3A_32 = arith.muli %scan3A_30, %mul3A_31 : i32
        %scan3A_33 = arith.constant 0 : i32
        %scan3A_34 = arith.constant 0 : i32
        %scan3A_35 = arith.constant 104 : i32
        %scan3A_36 = arith.addi %scan3A_34, %scan3A_35 : i32
        %scan3A_37 = arith.constant 1 : i32
        scf.for %scan3A_45 = %scan3A_34 to %scan3A_36 step %scan3A_37  : i32 {
          %add3A_46 = arith.addi %mul3A_32, %scan3A_45 : i32
          %dma_wait3A = arith.constant 0 : i32
          %dma_wait3A_47 = tpu.memref_slice %arg7[%add3A_46, %dma_wait3A] : memref<416x128xf32, #tpu.memory_space<vmem>> -> memref<1x128xf32, #tpu.memory_space<vmem>>
          %dma_wait3A_48 = tpu.memref_squeeze %dma_wait3A_47 : memref<1x128xf32, #tpu.memory_space<vmem>> -> memref<128xf32, #tpu.memory_space<vmem>>
          %dma_wait3A_49 = arith.constant 0 : i32
          %dma_wait3A_50 = tpu.memref_slice %arg6[%add3A_46, %dma_wait3A_49] : memref<416x128xi32, #tpu.memory_space<vmem>> -> memref<1x128xi32, #tpu.memory_space<vmem>>
          %dma_wait3A_51 = tpu.memref_squeeze %dma_wait3A_50 : memref<1x128xi32, #tpu.memory_space<vmem>> -> memref<128xi32, #tpu.memory_space<vmem>>
          %dma_wait3A_52 = arith.constant 0 : i32
          %dma_wait3A_53 = tpu.memref_slice %arg2[%dma_wait3A_52] : memref<41600000xf32, #tpu.memory_space<hbm>> -> memref<41600000xf32, #tpu.memory_space<hbm>>
          %dma_wait3A_54 = tpu.memref_slice %arg11[%scan3A_30] : memref<4x!tpu.dma_semaphore, #tpu.memory_space<semaphore_mem>> -> memref<1x!tpu.dma_semaphore, #tpu.memory_space<semaphore_mem>>
          %dma_wait3A_55 = tpu.memref_squeeze %dma_wait3A_54 : memref<1x!tpu.dma_semaphore, #tpu.memory_space<semaphore_mem>> -> memref<!tpu.dma_semaphore, #tpu.memory_space<semaphore_mem>>
          tpu.wait_indirect_dma semaphore(%dma_wait3A_55 : memref<!tpu.dma_semaphore, #tpu.memory_space<semaphore_mem>>) src(%dma_wait3A_53 : memref<41600000xf32, #tpu.memory_space<hbm>>) dst(%dma_wait3A_48 : memref<128xf32, #tpu.memory_space<vmem>>)
        }
        %scan3A_38 = arith.constant 104 : i32
        %scan3A_39 = arith.constant 0 : i32
        %scan3A_40 = arith.constant 0 : i32
        %scan3A_41 = arith.constant 8 : i32
        %scan3A_42 = arith.addi %scan3A_40, %scan3A_41 : i32
        %scan3A_43 = arith.constant 1 : i32
        scf.for %scan3A_45 = %scan3A_40 to %scan3A_42 step %scan3A_43  : i32 {
          %scan3A_46 = arith.constant 0 : i32
          %scan3A_47 = arith.constant 0 : i32
          %scan3A_48 = arith.constant 104 : i32
          %scan3A_49 = arith.addi %scan3A_47, %scan3A_48 : i32
          %scan3A_50 = arith.constant 1 : i32
          scf.for %scan3A_55 = %scan3A_47 to %scan3A_49 step %scan3A_50  : i32 {
            %add3A_56 = arith.addi %mul3A_32, %scan3A_55 : i32
            %mul3A_57 = arith.constant 16 : i32
            %mul3A_58 = arith.muli %scan3A_45, %mul3A_57 : i32
            %get3A = arith.index_cast %add3A_56 : i32 to index
            %get3A_59 = arith.index_cast %mul3A_58 : i32 to index
            %get3A_60 = tpu.vector_load %arg7[%get3A, %get3A_59] {strides = array<i32>} : memref<416x128xf32, #tpu.memory_space<vmem>>, vector<16xf32>,
            %mul3A_61 = arith.constant 0 : i32
            %mul3A_62 = vector.broadcast %mul3A_61 : i32 to vector<16xi32>
            %mul3A_63 = arith.muli %iota3A, %mul3A_62 : vector<16xi32>
            %add3A_64 = vector.broadcast %scan3A_55 : i32 to vector<16xi32>
            %add3A_65 = arith.addi %mul3A_63, %add3A_64 : vector<16xi32>
            tpu.vector_store_idx %arg8[%iota3A, %add3A_65], %get3A_60 : memref<16x104xf32, #tpu.memory_space<vmem>>[vector<16xi32>, vector<16xi32>], vector<16xf32>,
          }
          %scan3A_51 = arith.constant 104 : i32
          %mul3A_52 = arith.constant 16 : i32
          %mul3A_53 = arith.muli %scan3A_45, %mul3A_52 : i32
          %add3A_54 = arith.addi %mul3A_11, %mul3A_53 : i32
          "tpu.region"() ({
            %run_scoped3A = tpu.sem_alloc : memref<!tpu.dma_semaphore, #tpu.memory_space<semaphore_mem>>
            %dma_start3A = tpu.memref_slice %arg5[%add3A_54, %mul3A_32] : memref<16384x432xf32, #tpu.memory_space<hbm>> -> memref<16x104xf32, #tpu.memory_space<hbm>>
            %dma_start3A_55 = tpu.memref_slice %arg5[%add3A_54, %mul3A_32] : memref<16384x432xf32, #tpu.memory_space<hbm>> -> memref<16x104xf32, #tpu.memory_space<hbm>>
            tpu.enqueue_dma source(%arg8 : memref<16x104xf32, #tpu.memory_space<vmem>>) target(%dma_start3A_55 : memref<16x104xf32, #tpu.memory_space<hbm>>) target_semaphore(%run_scoped3A : memref<!tpu.dma_semaphore, #tpu.memory_space<semaphore_mem>>)
            %dma_wait3A = tpu.memref_slice %arg5[%add3A_54, %mul3A_32] : memref<16384x432xf32, #tpu.memory_space<hbm>> -> memref<16x104xf32, #tpu.memory_space<hbm>>
            %dma_wait3A_56 = tpu.memref_slice %arg5[%add3A_54, %mul3A_32] : memref<16384x432xf32, #tpu.memory_space<hbm>> -> memref<16x104xf32, #tpu.memory_space<hbm>>
            tpu.wait_dma2 semaphore(%run_scoped3A : memref<!tpu.dma_semaphore, #tpu.memory_space<semaphore_mem>>) src(%arg8 : memref<16x104xf32, #tpu.memory_space<vmem>>) dst(%dma_wait3A_56 : memref<16x104xf32, #tpu.memory_space<hbm>>)
            tpu.yield
          }) : () -> ()
        }
        %scan3A_44 = arith.constant 8 : i32
      }
      %scan3A_29 = arith.constant 4 : i32
    }
    %scan3A_5 = arith.constant 4 : i32
    return
  }
}

</mosaic_0001>

<sc_bundles>
// kernel: _cat_emb_head.3.cloned.1.call-start
scs
__scs_entry_jumppad:
0x0: {  	(pc) =	sbr.rel $0x88, $3  }
0x1: {  	(tag) =	ssettag $0x0;
	lr =	simm.s32 $0x1  }
0x2: {  	[smem:$0x3F9F] =	sst lr;
	_ =	strace $0xD0000000  }
0x3: {  	_ = 	snop  }
0x4: {  	_ = 	snop  }
0x5: {  	_ = 	snop  }
0x6: {  	_ = 	snop  }
0x7: {  	_ = 	snop  }
__scs_overlays_trampoline_lowered:
0x8: {  	[smem:$0x3FAE] =	sst s0  }
0x9: {  	[smem:$0x3FAF] =	sst s1  }
0xa: {  	[smem:$0x3FB0] =	sst s2  }
0xb: {  	[smem:$0x3FB1] =	sst s3  }
0xc: {  	[smem:$0x3FB2] =	sst s4  }
0xd: {  	[smem:$0x3FB3] =	sst s5  }
0xe: {  	[smem:$0x3FB4] =	sst s6  }
0xf: {  	[smem:$0x3FB5] =	sst s7  }
0x10: {  	[smem:$0x3FB6] =	sst s8  }
0x11: {  	[smem:$0x3FB7] =	sst s9;
	s0 =	simm.s32 @!p0 $0x0  }
0x12: {  	s1 =	sld [smem:$0x3F9D];
	s0 =	simm.s32 @p0 $0x1  }
0x13: {  	[smem:$0x3FB8] =	sst s0;
	s0 =	simm.s32 @!p1 $0x0  }
0x14: {  	s2 =	sld [smem:$0x3F9C];
	s0 =	simm.s32 @p1 $0x1  }
0x15: {  	[smem:$0x3FB9] =	sst s0;
	s0 =	simm.s32 @!p2 $0x0  }
0x16: {  	s3 =	sld [smem:$0x3FDB];
	s0 =	simm.s32 @p2 $0x1  }
0x17: {  	s4 =	simm.s32 $0x1BF5;
	[smem:$0x3FBB] =	sst s0  }
0x18: {  	s0 =	sld [smem:$0x3F9E];
	_ =	swait.ge [sflag:s4], $0x0  }
0x19: {  	s7 =	sld [smem:$0x3F9F]  }
0x1a: {  	s8 =	sadd.s32 $0xFFFFE003, lr  }
0x1b: {  	s9 =	sadd.s32 $0xFFFFFEF7, lr;
	s5 =	simm.s32 $0xFFFFFFFF;
	p2 =	slt.u32 s8, $0xFFFFF086  }
0x1c: {  	p1 =	slt.u32 s9, $0xF7A;
	s5 =	simm.s32 @!p2 $0x0  }
0x1d: {  	s5 =	simm.s32 @p1 $0x1;
	p0 =	seq.s32 s7, s2  }
0x1e: {  	s7 =	smul.u32 @!p0 $0xF7A, s2;
	p2 =	seq.s32 @!p0 s5, $0x0  }
0x1f: {  	s9 =	smul.u32 $0xF7A, s1;
	s8 =	simm.s32 @!p0 $0x1BF5;
	p2 =	por !p2, p0  }
0x20: {  	[sflag:s8] =	ssyncset.s32 @!p0 $0xFFFFF086;
	s6 =	sadd.s32 @!p0 s3, s7;
	s7 =	simm.s32 @!p0 $0x108  }
0x21: {  	s3 =	sadd.s32 s3, s9;
	s6 =	sadd.s32 @!p0 $0x88, s6;
	s7 =	simm.s32 @p2 $0x1082  }
0x22: {  	[simem:s7], [sflag:s8] =	dma.local @!p0 [hbm:s6], $0xF7A  }
0x23: {  	s9 =	sor.u32 $0xD0000000, s2;
	s6 =	simm.s32 $0x108;
	_ =	swait.ge @!p0 [sflag:s8], $0x0  }
0x24: {  	s3 =	sadd.s32 $0x88, s3;
	s6 =	simm.s32 @!p1 $0x1082;
	[sflag:s4] =	ssyncset.s32 $0xFFFFF086  }
0x25: {  	[simem:s6], [sflag:s4] =	dma.local [hbm:s3], $0xF7A  }
0x26: {  	[smem:$0x3F9F] =	sst s1;
	(tag) =	ssettag s2;
	_ =	strace s9  }
0x27: {  	s1 =	sld [smem:$0x3FAF]  }
0x28: {  	s2 =	sld [smem:$0x3FB0]  }
0x29: {  	s4 =	sld [smem:$0x3FB2]  }
0x2a: {  	p0 =	seq.s32 s5, $0x0;
	s5 =	sld [smem:$0x3FB3]  }
0x2b: {  	s6 =	sld [smem:$0x3FB4]  }
0x2c: {  	s7 =	sld [smem:$0x3FB5]  }
0x2d: {  	s3 =	simm.s32 $0x108;
	s8 =	sld [smem:$0x3FB6]  }
0x2e: {  	s3 =	simm.s32 @!p0 $0x1082;
	s9 =	sld [smem:$0x3FB7]  }
0x2f: {  	lr =	sadd.s32 s0, s3;
	s0 =	sld [smem:$0x3FAE]  }
0x30: {  	s3 =	sld [smem:$0x3FB1]  }
0x31: {  	[smem:$0x3FBA] =	sst s10  }
0x32: {  	s10 =	sld [smem:$0x3FB8];
	_ =	sdelay $0x3  }
0x33: {  	p0 =	seq.s32 s10, $0x1;
	s10 =	sld [smem:$0x3FBA];
	_ =	sdelay $0x3  }
0x34: {  	[smem:$0x3FBA] =	sst s10  }
0x35: {  	s10 =	sld [smem:$0x3FB9];
	_ =	sdelay $0x3  }
0x36: {  	p1 =	seq.s32 s10, $0x1;
	s10 =	sld [smem:$0x3FBA];
	_ =	sdelay $0x3  }
0x37: {  	[smem:$0x3FBA] =	sst s10  }
0x38: {  	s10 =	sld [smem:$0x3FBB]  }
0x39: {  	_ = 	snop;
	(pc) =	sbr.ind lr, $3  }
0x3a: {  	_ = 	snop  }
0x3b: {  	_ = 	snop  }
0x3c: {  	p2 =	seq.s32 s10, $0x1;
	s10 =	sld [smem:$0x3FBA]  }
0x3d: {  	_ =	shalt  }
0x3e: {  	_ =	shalt  }
0x3f: {  	_ =	shalt  }
0x40: {  	_ =	shalt  }
0x41: {  	_ =	shalt  }
0x42: {  	_ =	shalt  }
0x43: {  	_ =	shalt  }
0x44: {  	_ =	shalt  }
0x45: {  	_ =	shalt  }
0x46: {  	_ =	shalt  }
0x47: {  	_ =	shalt  }
0x48: {  	_ =	shalt  }
0x49: {  	_ =	shalt  }
0x4a: {  	_ =	shalt  }
0x4b: {  	_ =	shalt  }
0x4c: {  	_ =	shalt  }
0x4d: {  	_ =	shalt  }
0x4e: {  	_ =	shalt  }
0x4f: {  	_ =	shalt  }
0x50: {  	_ =	shalt  }
0x51: {  	_ =	shalt  }
0x52: {  	_ =	shalt  }
0x53: {  	_ =	shalt  }
0x54: {  	_ =	shalt  }
0x55: {  	_ =	shalt  }
0x56: {  	_ =	shalt  }
0x57: {  	_ =	shalt  }
0x58: {  	_ =	shalt  }
0x59: {  	_ =	shalt  }
0x5a: {  	_ =	shalt  }
0x5b: {  	_ =	shalt  }
0x5c: {  	_ =	shalt  }
0x5d: {  	_ =	shalt  }
0x5e: {  	_ =	shalt  }
0x5f: {  	_ =	shalt  }
0x60: {  	_ =	shalt  }
0x61: {  	_ =	shalt  }
0x62: {  	_ =	shalt  }
0x63: {  	_ =	shalt  }
0x64: {  	_ =	shalt  }
0x65: {  	_ =	shalt  }
0x66: {  	_ =	shalt  }
0x67: {  	_ =	shalt  }
0x68: {  	_ =	shalt  }
0x69: {  	_ =	shalt  }
0x6a: {  	_ =	shalt  }
0x6b: {  	_ =	shalt  }
0x6c: {  	_ =	shalt  }
0x6d: {  	_ =	shalt  }
0x6e: {  	_ =	shalt  }
0x6f: {  	_ =	shalt  }
0x70: {  	_ =	shalt  }
0x71: {  	_ =	shalt  }
0x72: {  	_ =	shalt  }
0x73: {  	_ =	shalt  }
0x74: {  	_ =	shalt  }
0x75: {  	_ =	shalt  }
0x76: {  	_ =	shalt  }
0x77: {  	_ =	shalt  }
0x78: {  	_ =	shalt  }
0x79: {  	_ =	shalt  }
0x7a: {  	_ =	shalt  }
0x7b: {  	_ =	shalt  }
0x7c: {  	_ =	shalt  }
0x7d: {  	_ =	shalt  }
0x7e: {  	_ =	shalt  }
0x7f: {  	_ =	shalt  }
0x80: {  	_ =	shalt  }
0x81: {  	_ =	shalt  }
0x82: {  	_ =	shalt  }
0x83: {  	_ =	shalt  }
0x84: {  	_ =	shalt  }
0x85: {  	_ =	shalt  }
0x86: {  	_ =	shalt  }
0x87: {  	_ =	shalt  }
.Lfunc_end0:
.L_simem_size_0:
called_computation_lowered:
.L_overlay_start_0:
0x88: {  	s2 =	sld [smem:$0x3FD9]  }
0x89: {  	s3 =	sld [smem:$0x3FFE];
	_ =	sdelay $0x1  }
0x8a: {  	s1 =	srdreg.scid  }
0x8b: {  	s0 =	sand.u32 $0x1, s1  }
0x8c: {  	s17 =	sshll.u32 s0, $0xA;
	s2 =	sadd.s32 s3, s2  }
0x8d: {  	s2 =	sadd.s32 s2, s17  }
0x8e: {  	[smem:$0x3FC6] =	sst s2  }
0x8f: {  	_ = 	snop  }
0x90: {  	s2 =	sld [smem:$0x3FD0];
	(tm) =	ssettm $0x1  }
0x91: {  	s18 =	sld [smem:$0x3FFB];
	_ =	sdelay $0x3  }
0x92: {  	_ =	strace s18  }
0x93: {  	s3 =	sld [smem:$0x3FFC];
	_ =	sdelay $0x3  }
0x94: {  	_ =	strace s3  }
0x95: {  	s3 =	sld [smem:$0x3FFD];
	_ =	sdelay $0x3  }
0x96: {  	_ =	strace s3  }
0x97: {  	_ =	strace $0x8FFFFFFF  }
0x98: {  	s19 =	sld [smem:$0x3FDB];
	_ =	sdelay $0x1  }
0x99: {  	s4 =	simm.s32 $_scs_section_size  }
0x9a: {  	s5 =	simm.s32 $_size__tile_overlayer_lowered;
	s6 =	simm.s32 $_tile_overlayer_lowered  }
0x9b: {  	s22 =	simm.s32 $0x1BFF;
	s21 =	sshll.u32 s6, $0x1;
	s3 =	sadd.s32 s4, s19  }
0x9c: {  	s7 =	simm.s32 $0x0;
	s20 =	sshll.u32 s5, $0x1;
	s5 =	sadd.s32 s21, s3  }
0x9d: {  	[timem:s7], [sflag:s22] =	dma.local [hbm:s5], s20  }
0x9e: {  	_ =	swait.ge [sflag:s22], s20  }
0x9f: {  	s4 =	ssub.s32 $0x0, s20;
	[sflag:s22] =	ssyncset.done $0x0  }
0xa0: {  	[sflag:s22] =	ssyncadd.s32 s4;
	_ =	sdelay $0x1  }
0xa1: {  	s23 =	simm.s32 $0x1B8B  }
0xa2: {  	_ =	swait.ge [sflag:s23], $0x1  }
0xa3: {  	[sflag:s23] =	ssyncset.done $0x0  }
0xa4: {  	s25 =	simm.s32 $0x1B8E;
	s24 =	sld [smem:$0x3FFE];
	[sflag:s23] =	ssyncadd.s32 $0xFFFFFFFF  }
0xa5: {  	s26 =	simm.s32 $execute0_lowered;
	[smem:$0x3FD2] =	sst s25  }
0xa6: {  	s5 =	sshll.u32 s26, $0x1;
	_ =	strace $0x80000046;
	[dreg:$0x1] =	wrdreg $0xFFFFFFFF  }
0xa7: {  	s28 =	simm.s32 $_size_execute0_lowered;
	s3 =	sadd.s32 s3, s5;
	[dreg:$0x0] =	wrdreg $0x0  }
0xa8: {  	s5 =	sshll.u32 s28, $0x1;
	[dreg:$0x2] =	wrdreg s3  }
0xa9: {  	[dreg:$0x3] =	wrdreg s5  }
0xaa: {  	[dreg:$0x4] =	wrdreg $0xC0  }
0xab: {  	_ =	task [dreg:s7], $0x5FFFF  }
0xac: {  	[dreg:$0x1] =	wrdreg $0xFFFFFFFF  }
0xad: {  	[dreg:$0x0] =	wrdreg $0x60  }
0xae: {  	[dreg:$0x2] =	wrdreg s24  }
0xaf: {  	[dreg:$0x3] =	wrdreg s2  }
0xb0: {  	[dreg:$0x4] =	wrdreg $0x9  }
0xb1: {  	_ =	task.clear_ibuf [dreg:s7], $0x5FFFF;
	_ =	strace $0x90000046  }
0xb2: {  	s29 =	simm.s32 $0x9;
	_ =	strace $0x80000048  }
0xb3: {  	_ =	swait.ge [sflag:s29], $0x1  }
0xb4: {  	[sflag:s29] =	ssyncadd.s32 $0xFFFFFFFF  }
0xb5: {  	_ =	strace $0x90000048  }
0xb6: {  	_ =	sfence  }
0xb7: {  	s30 =	sld [smem:$0x0];
	_ =	sdelay $0x2  }
0xb8: {  	s31 =	sshll.u32 s1, $0xD;
	s1 =	sshrl.u32 s1, $0x2  }
0xb9: {  	s3 =	sand.u32 $0x4000, s31;
	s1 =	sadd.s32 s1, s30  }
0xba: {  	s0 =	sor.u32 s3, s0;
	s1 =	sshll.u32 s1, $0x11  }
0xbb: {  	s0 =	sor.u32 s1, s0  }
0xbc: {  	s0 =	sadd.s32 $0x8F2B, s0  }
0xbd: {  	[sflag:s0] =	ssyncadd.remote.s32 $0x1  }
0xbe: {  	_ =	sfence.sel $0xFFFF  }
0xbf: {  	[dreg:$0x0] =	wrdreg $0xFFFFFFFF;
	(pc) =	sbr.abs _section_cstart, $3  }
0xc0: {  	[dreg:$0x1] =	wrdreg $0xFFFFFFFF  }
0xc1: {  	_ =	task.clear_ibuf [dreg:s7], $0x2FFFF;
	_ =	strace $0x9FFFFFFF  }
0xc2: {  	(tm) =	ssettm $0x7FFFFFFF  }
0xc3: {  	_ =	shalt  }
tec
execute0_lowered:
.L_overlay_start_1:
0x0: {  	(tag) =	ssettag $0x1  }
0x1: {  	s3 =	rddreg [dreg:$0x0]  }
0x2: {  	s1 =	rddreg [dreg:$0x1]  }
0x3: {  	s0 =	rddreg [dreg:$0x2];
	s2 =	simm.s32 $0x0  }
0x4: {  	s6 =	srdreg.scid;
	s11 =	simm.s32 $0x1A680;
	s12 =	simm.s32 $0x80  }
0x5: {  	s13 =	simm.s32 $0x1BA80;
	s14 =	simm.s32 $0x10;
	s15 =	simm.s32 $0x1B0  }
0x6: {  	s16 =	simm.s32 $0x1A000;
	s17 =	simm.s32 $0x68;
	[smem:$0x7FF] =	sst s2  }
0x7: {  	s4 =	sadd.s32 $0x14600, s3;
	s5 =	sadd.s32 $0x50A000, s3;
	s7 =	sand.u32 $0x1, s6  }
0x8: {  	s6 =	sadd.s32 $0x600, s3;
	s3 =	stileid.u32;
	s8 =	ssub.s32 $0x2, s7  }
0x9: {  	s10 =	sshll.u32 s3, $0x3;
	s7 =	sshll.u32 s7, $0x2;
	s9 =	sshrl.u32 s8, $0x1  }
0xa: {  	v0 =	vlaneseq.u32;
	_ =	strace $0x80000047;
	s7 =	sor.u32 s7, s10;
	s9 =	ssub.s32 s8, s9  }
0xb: {  	v1 =	vimm.s32 $0x0;
	v2 =	vmul.u32 $0x68, v0;
	s10 =	simm.s32 $0x5;
	s8 =	sadd.s32 $0x34, s1;
	s9 =	smax.u32 s9, $0x1  }
.LBB2_1:
0xc: {  	s18 =	simm.s32 $0x0  }
.LBB2_2:
0xd: {  	s19 =	sadd.s32 s7, s18  }
0xe: {  	s20 =	smul.u32 $0x1A00, s19;
	_ =	sdelay $0x1  }
0xf: {  	s21 =	sadd.s32 s5, s20;
	s20 =	simm.s32 $0x0  }
0x10: {  	[tilespmem:s20], [sflag:$0x5] =	stream.linear.gather [hbm4b:s21+s20], $0xD000, $0x38;
	[tilespmem:$0x1C280] =	vst v63  }
0x11: {  	s30 =	smul.u32 $0x280, s19;
	_ =	swait.ge [sflag:s10], $0xD000  }
0x12: {  	[sflag:s10] =	ssyncset.done $0x0  }
0x13: {  	s21 =	sadd.s32 s6, s30;
	s31 =	smul.u32 $0x4EC5, s20;
	[sflag:s10] =	ssyncadd.s32 $0xFFFF3000  }
0x14: {  	[tilespmem:s11], [sflag:$0x5] =	stream.linear.gather [hbm4b:s21+s20], $0x1400, $0x38;
	[tilespmem:$0x1C280] =	vst v63  }
0x15: {  	_ =	swait.ge [sflag:s10], $0x1400  }
0x16: {  	s22 =	sshrl.u32 s31, $0x15;
	[sflag:s10] =	ssyncset.done $0x0  }
0x17: {  	s22 =	sadd.s32 $0x1, s22;
	s21 =	simm.s32 $0xD000;
	[sflag:s10] =	ssyncadd.s32 $0xFFFFEC00  }
0x18: {  	[tilespmem:s21], [sflag:s22] =	stream.indirect.gather [hbm4b:s4+s12], $0x1, s20, s12, $0xb8;
	[tilespmem:$0x1C280] =	vst v63  }
0x19: {  	s23 =	simm.s32 $0x0;
	s22 =	simm.s32 $0x1  }
.LBB2_3:
0x1a: {  	s24 =	smul.u32 $0x4EC5, s22;
	p0 =	sne.s32 s22, $0x19F  }
.Ltmp0:
0x1b: {  	s22 =	sadd.s32 $0x1, s22;
	(pc) =	sbr.rel @p0 .LBB2_3-.Ltmp0, $4  }
0x1c: {  	_ = 	snop  }
0x1d: {  	s24 =	sshrl.u32 s24, $0x15  }
0x1e: {  	s21 =	sadd.s32 $0x80, s21;
	s23 =	sadd.s32 $0x80, s23;
	s24 =	sadd.s32 $0x1, s24  }
0x1f: {  	[tilespmem:s21], [sflag:s24] =	stream.indirect.gather [hbm4b:s4+s12], $0x1, s23, s12, $0xb8;
	[tilespmem:$0x1C280] =	vst v63  }
0x20: {  	v3 =	vor.u32 s20, v0  }
0x21: {  	v4 =	vmulhi.u32 $0x4EC4EC4F, v3;
	_ =	sdelay $0x1  }
0x22: {  	v4 =	vshrl.u32 v4, $0x2  }
0x23: {  	v5 =	vmul.u32 $0xFFFFFFF3, v4  }
0x24: {  	v6 =	vmov s20;
	s31 =	simm.s32 $0x10;
	v7 =	vsub.s32 $0x0, v3  }
0x25: {  	vm0 =	veq.s32 v6, v0;
	vm1 =	vne.s32 v5, v7;
	v7 =	vor.u32 s31, v0  }
0x26: {  	s21 =	simm.s32 $0x20;
	vm0 =	vmand vm0, vm1;
	v5 =	vmulhi.u32 $0x4EC4EC4F, v7  }
0x27: {  	v14 =	vmov s21;
	v6 =	vsel vm0, $0xFFFFFFFF, v1  }
0x28: {  	v8 =	vadd.s32 v6, v4;
	v5 =	vshrl.u32 v5, $0x2;
	v6 =	vmov s31  }
0x29: {  	v4 =	vor.u32 s21, v0;
	v9 =	vmul.u32 $0xFFFFFFF3, v8;
	v10 =	vmul.u32 $0xFFFFFFF3, v5  }
0x2a: {  	v11 =	vsub.s32 $0x0, v7;
	v12 =	vmulhi.u32 $0x4EC4EC4F, v4;
	vm0 =	veq.s32 v6, v0  }
0x2b: {  	v3 =	vadd.s32 v3, v9;
	v9 =	vmul.u32 $0x28, v8;
	vm1 =	vne.s32 v10, v11  }
0x2c: {  	v6 =	vshrl.u32 v12, $0x2;
	v10 =	vand.u32 $0xFFFFFFF8, v3;
	vm0 =	vmand vm0, vm1  }
0x2d: {  	v13 =	vand.u32 $0x7, v3;
	v3 =	vadd.s32 v9, v10;
	v9 =	vsel vm0, $0xFFFFFFFF, v1  }
0x2e: {  	s20 =	simm.s32 $0x30;
	v15 =	vmul.u32 $0xFFFFFFF3, v6;
	v12 =	vor.u32 v13, v3;
	v5 =	vadd.s32 v9, v5  }
0x2f: {  	v3 =	vor.u32 s20, v0;
	v9 =	vsub.s32 $0x0, v4;
	v16 =	vmul.u32 $0xFFFFFFF3, v5  }
0x30: {  	vm0 =	veq.s32 v14, v0;
	v11 =	vmulhi.u32 $0x4EC4EC4F, v3;
	vm1 =	vne.s32 v15, v9  }
0x31: {  	v14 =	vmul.u32 $0x28, v5;
	v9 =	vshll.u32 v8, $0x4;
	v7 =	vadd.s32 v7, v16  }
0x32: {  	vm0 =	vmand vm0, vm1;
	v10 =	vadd.s32 v9, v10;
	v8 =	vand.u32 $0xFFFFFFF8, v7  }
0x33: {  	s21 =	simm.s32 $0x40;
	v10 =	vor.u32 v13, v10;
	v7 =	vand.u32 $0x7, v7;
	v9 =	vld.idx.msk [tilespmem:v12+s11+$0x0], $0xffff;
	v12 =	vadd.s32 v14, v8  }
.LBB2_5:
0x34: {  	p0 =	sne.s32 s21, $0x670;
	v11 =	vshrl.u32 v11, $0x2;
	v13 =	vsel vm0, $0xFFFFFFFF, v1;
	v12 =	vor.u32 v7, v12  }
0x35: {  	v14 =	vmov s20;
	s20 =	smov.u32 s21;
	v15 =	vmul.u32 $0xFFFFFFF3, v11;
	v13 =	vadd.s32 v13, v6;
	v6 =	vmovc v11  }
.Ltmp1:
0x36: {  	v16 =	vor.u32 s21, v0;
	v17 =	vsub.s32 $0x0, v3;
	v18 =	vmul.u32 $0xFFFFFFF3, v13;
	(pc) =	sbr.rel @p0 .LBB2_5-.Ltmp1, $4  }
0x37: {  	v11 =	vmulhi.u32 $0x4EC4EC4F, v16;
	vm0 =	veq.s32 v14, v0;
	vm1 =	vne.s32 v15, v17  }
0x38: {  	v15 =	vmul.u32 $0x28, v13;
	v17 =	vshll.u32 v5, $0x4;
	v5 =	vmovc v13;
	v14 =	vadd.s32 v4, v18;
	[tilespmem:v10+s13+$0x0] =	vst.idx.msk $0xffff, v9  }
0x39: {  	vm0 =	vmand vm0, vm1;
	v10 =	vadd.s32 v17, v8;
	v4 =	vmovc v3;
	v3 =	vmovc v16;
	v9 =	vld.idx.msk [tilespmem:v12+s11+$0x0], $0xffff;
	v8 =	vand.u32 $0xFFFFFFF8, v14  }
0x3a: {  	s21 =	sadd.s32 $0x10, s21;
	v10 =	vor.u32 v7, v10;
	v7 =	vand.u32 $0x7, v14;
	v12 =	vadd.s32 v15, v8  }
0x3b: {  	v13 =	vsel vm0, $0xFFFFFFFF, v1;
	v11 =	vshrl.u32 v11, $0x2  }
0x3c: {  	v12 =	vor.u32 v7, v12;
	v15 =	vmov s20;
	v6 =	vadd.s32 v13, v6  }
0x3d: {  	v5 =	vshll.u32 v5, $0x4;
	v52 =	vmul.u32 $0xFFFFFFF3, v11;
	v14 =	vmul.u32 $0xFFFFFFF3, v6  }
0x3e: {  	v16 =	vsub.s32 $0x0, v3;
	vm15 =	veq.s32 v15, v0;
	v5 =	vadd.s32 v5, v8  }
0x3f: {  	v53 =	vmul.u32 $0x28, v6;
	vm1 =	vne.s32 v52, v16;
	v4 =	vadd.s32 v4, v14  }
0x40: {  	v5 =	vor.u32 v7, v5;
	[tilespmem:v10+s13+$0x0] =	vst.idx.msk $0xffff, v9;
	vm0 =	vmand vm15, vm1;
	v54 =	vand.u32 $0xFFFFFFF8, v4  }
0x41: {  	v4 =	vand.u32 $0x7, v4;
	v55 =	vld.idx.msk [tilespmem:v12+s11+$0x0], $0xffff;
	v57 =	vsel vm0, $0xFFFFFFFF, v1;
	v56 =	vadd.s32 v53, v54  }
0x42: {  	v7 =	vadd.s32 v57, v11;
	v10 =	vor.u32 v4, v56  }
0x43: {  	v11 =	vmul.u32 $0xFFFFFFF3, v7;
	_ =	sdelay $0x1  }
0x44: {  	v6 =	vshll.u32 v6, $0x4;
	v58 =	vmul.u32 $0x28, v7;
	v3 =	vadd.s32 v3, v11  }
0x45: {  	v6 =	vadd.s32 v6, v54;
	[tilespmem:v5+s13+$0x0] =	vst.idx.msk $0xffff, v55;
	v59 =	vand.u32 $0xFFFFFFF8, v3  }
0x46: {  	v4 =	vor.u32 v4, v6;
	v3 =	vand.u32 $0x7, v3;
	v60 =	vadd.s32 v58, v59;
	v8 =	vld.idx.msk [tilespmem:v10+s11+$0x0], $0xffff  }
0x47: {  	v61 =	vor.u32 v3, v60;
	_ =	sdelay $0x2  }
0x48: {  	v7 =	vshll.u32 v7, $0x4  }
0x49: {  	v62 =	vadd.s32 v7, v59;
	[tilespmem:v4+s13+$0x0] =	vst.idx.msk $0xffff, v8  }
0x4a: {  	v3 =	vor.u32 v3, v62;
	v63 =	vld.idx.msk [tilespmem:v61+s11+$0x0], $0xffff;
	_ =	sdelay $0x2  }
0x4b: {  	s31 =	smul.u32 $0x1B00, s19;
	_ =	sdelay $0x1  }
0x4c: {  	s20 =	sadd.s32 s31, s8;
	[tilespmem:v3+s13+$0x0] =	vst.idx.msk $0xffff, v63  }
0x4d: {  	[hbm4b:s20+s14] =	stream.strided.scatter [tilespmem:s13], [sflag:$0x5], $0x800, s15, s14, $0x38;
	[tilespmem:$0x1C280] =	vst v63  }
0x4e: {  	_ =	swait.ge [sflag:s10], $0x800  }
0x4f: {  	s19 =	sshll.u32 s19, $0x7;
	[sflag:s10] =	ssyncset.done $0x0  }
0x50: {  	s22 =	simm.s32 $0x0;
	s20 =	simm.s32 $0xD000;
	[sflag:s10] =	ssyncadd.s32 $0xFFFFF800  }
.LBB2_7:
0x51: {  	s21 =	sadd.s32 $0x1, s22  }
0x52: {  	_ =	swait.ge [sflag:s21], $0x80  }
0x53: {  	s23 =	simm.s32 $0x67;
	[sflag:s21] =	ssyncset.done $0x0  }
.LBB2_8:
0x54: {  	p0 =	sne.s32 s23, $0x1;
	s23 =	sadd.s32 $0xFFFFFFFF, s23;
	[sflag:s21] =	ssyncadd.s32 $0xFFFFFF80  }
.Ltmp2:
0x55: {  	(pc) =	sbr.rel @p0 .LBB2_8-.Ltmp2, $3  }
0x56: {  	_ =	sdelay $0x1  }
0x57: {  	_ =	swait.ge [sflag:s21], $0x80  }
0x58: {  	[sflag:s21] =	ssyncset.done $0x0  }
0x59: {  	[sflag:s21] =	ssyncadd.s32 $0xFFFFFF80;
	s22 =	smul.u32 $0x68, s22  }
0x5a: {  	s23 =	simm.s32 $0x0;
	s24 =	smov.u32 s20;
	s25 =	simm.s32 $0x0  }
.LBB2_10:
0x5b: {  	v3 =	vmov s23  }
0x5c: {  	v4 =	vand.u32 $0x7F, v3  }
0x5d: {  	s26 =	simm.s32 $0x1;
	s28 =	smov.u32 s24;
	v3 =	vld [tilespmem:s24+$0x0];
	v4 =	vadd.s32 v2, v4  }
.LBB2_11:
0x5e: {  	p0 =	sne.s32 s26, $0x67  }
.Ltmp3:
0x5f: {  	_ = 	snop;
	(pc) =	sbr.rel @p0 .LBB2_11-.Ltmp3, $4  }
0x60: {  	_ = 	snop  }
0x61: {  	v5 =	vmov s26;
	s26 =	sadd.s32 $0x1, s26  }
0x62: {  	s28 =	sadd.s32 $0x80, s28;
	v5 =	vand.u32 $0x7F, v5;
	[tilespmem:v4+s16+$0x0] =	vst.idx.msk $0xffff, v3  }
0x63: {  	v4 =	vadd.s32 v2, v5;
	v3 =	vld [tilespmem:s28+$0x0]  }
0x64: {  	s26 =	sshll.u32 s25, $0x4  }
0x65: {  	s26 =	sadd.s32 s19, s26  }
0x66: {  	s26 =	smul.u32 $0x1B0, s26;
	_ =	sdelay $0x1  }
0x67: {  	s25 =	sadd.s32 $0x1, s25;
	s26 =	sadd.s32 s22, s26  }
0x68: {  	p0 =	sne.s32 s25, $0x8;
	s26 =	sshrl.u32 s26, $0x3  }
.Ltmp4:
0x69: {  	[tilespmem:v4+s16+$0x0] =	vst.idx.msk $0xffff, v3;
	s26 =	sadd.s32 s1, s26;
	(pc) =	sbr.rel @p0 .LBB2_10-.Ltmp4, $4  }
0x6a: {  	[hbm4b:s26+s17] =	stream.strided.scatter [tilespmem:s16], [sflag:$0x5], $0x680, s15, s17, $0x38;
	[tilespmem:$0x1C280] =	vst v63  }
0x6b: {  	_ =	swait.ge [sflag:s10], $0x680  }
0x6c: {  	[sflag:s10] =	ssyncset.done $0x0  }
0x6d: {  	s24 =	sadd.s32 $0x10, s24;
	[sflag:s10] =	ssyncadd.s32 $0xFFFFF980  }
0x6e: {  	p0 =	sne.s32 s21, $0x4  }
.Ltmp5:
0x6f: {  	_ = 	snop;
	(pc) =	sbr.rel @p0 .LBB2_7-.Ltmp5, $2  }
0x70: {  	_ =	sdelay $0x2  }
0x71: {  	s20 =	sadd.s32 $0x3400, s20;
	s22 =	smov.u32 s21  }
0x72: {  	s18 =	sadd.s32 $0x1, s18  }
0x73: {  	p0 =	sne.s32 s18, $0x4  }
.Ltmp6:
0x74: {  	_ = 	snop;
	(pc) =	sbr.rel @p0 .LBB2_2-.Ltmp6, $1  }
0x75: {  	_ =	sdelay $0x3  }
0x76: {  	s2 =	sadd.s32 $0x1, s2  }
0x77: {  	p0 =	sne.s32 s2, s9  }
.Ltmp7:
0x78: {  	_ = 	snop;
	(pc) =	sbr.rel @p0 .LBB2_1-.Ltmp7, $1  }
0x79: {  	_ =	sdelay $0x3  }
0x7a: {  	_ =	sfence.sel $0x180000  }
0x7b: {  	[bflag:$0x0] =	sbarrier.arrive $0xFFFF  }
0x7c: {  	p0 =	sne.s32 s3, $0x0;
	_ =	strace $0x90000047  }
0x7d: {  	s0 =	sadd.s32 @!p0 $0x100000, s0;
	[bflag:$0x2] =	sbarrier.arrive $0xFFFF  }
0x7e: {  	[sflag:s0] =	ssyncadd.tile.s32 @!p0 $0x1;
	_ =	shalt  }
.Lfunc_end2:
_tile_overlayer_lowered:
.L_overlay_start_2:
0x7f: {  	(tag) =	ssettag $0x2  }
0x80: {  	s0 =	rddreg [dreg:$0x0];
	s2 =	stileid.u32  }
0x81: {  	s1 =	rddreg [dreg:$0x1];
	p0 =	sne.s32 s2, $0x0  }
0x82: {  	s3 =	rddreg [dreg:$0x2];
	[bflag:$0x3] =	sbarrier.arrive $0xFFFF;
	s2 =	simm.s32 @!p0 $0x1C05  }
0x83: {  	[timem:s3], [sflag:s2] =	dma.local @!p0 [hbm:s0], s1  }
0x84: {  	s0 =	simm.s32 @!p0 $0x5  }
0x85: {  	_ =	swait.ge @!p0 [sflag:s0], s1  }
0x86: {  	s1 =	ssub.s32 @!p0 $0x0, s1;
	[sflag:s0] =	ssyncset.done @!p0 $0x0  }
0x87: {  	[sflag:s0] =	ssyncadd.s32 @!p0 s1  }
0x88: {  	[bflag:$0x3] =	sbarrier.arrive $0xFFFF  }
0x89: {  	_ =	shalt  }

</sc_bundles>
